<compile_context>
chip_gen: v7x
topology: tpu7x:2x2x1
jax: 0.10.2.dev20260603
libtpu: 0.0.44.dev20260713+nightly
codegen_flags: <defaults>
</compile_context>

<pallas_src>
import functools

import jax
import jax.numpy as jnp
from jax import lax
from jax.experimental import pallas as pl
from jax.experimental.pallas import tpu as pltpu
from jax.experimental.pallas import tpu_sc as plsc

_NUM_CORES = 2
_NUM_SUBCORES = 16
_NUM_WORKERS = _NUM_CORES * _NUM_SUBCORES
_CHUNK_ROWS = 16
_SC_ROWS = 1536


def _tc_copy_body(t_ref, o_ref):
    o_ref[...] = t_ref[...]


def _tc_copy(theta, row0, nrows, d, rows_per_block=512):
    grid = nrows // rows_per_block
    return pl.pallas_call(
        _tc_copy_body,
        grid=(grid,),
        in_specs=[
            pl.BlockSpec(
                (rows_per_block, d),
                lambda i: (row0 // rows_per_block + i, 0),
            )
        ],
        out_specs=pl.BlockSpec((rows_per_block, d), lambda i: (i, 0)),
        out_shape=jax.ShapeDtypeStruct((nrows, d), theta.dtype),
    )(theta)


def _sc_gather(theta, row0, nrows, d):
    rows_per_w = nrows // _NUM_WORKERS
    nchunks = rows_per_w // _CHUNK_ROWS
    mesh = plsc.VectorSubcoreMesh(core_axis_name="c", subcore_axis_name="s")

    @functools.partial(
        pl.kernel,
        mesh=mesh,
        out_type=jax.ShapeDtypeStruct((nrows, d), theta.dtype),
        scratch_types=[
            pltpu.VMEM((_CHUNK_ROWS, d), theta.dtype),
            pltpu.VMEM((_CHUNK_ROWS, d), theta.dtype),
            pltpu.SemaphoreType.DMA,
            pltpu.SemaphoreType.DMA,
            pltpu.SemaphoreType.DMA,
            pltpu.SemaphoreType.DMA,
        ],
    )
    def gather_rows(theta_hbm, out_hbm, buf0, buf1, si0, si1, so0, so1):
        wid = lax.axis_index("s") * _NUM_CORES + lax.axis_index("c")
        base = wid * rows_per_w
        bufs = (buf0, buf1)
        sin = (si0, si1)
        sout = (so0, so1)
        out_copies = [None] * nchunks
        for g in range(nchunks):
            buf = bufs[g % 2]
            if g >= 2:
                out_copies[g - 2].wait()
            pltpu.async_copy(
                theta_hbm.at[pl.ds(row0 + base + g * _CHUNK_ROWS, _CHUNK_ROWS)],
                buf,
                sin[g % 2],
            ).wait()
            out_copies[g] = pltpu.async_copy(
                buf,
                out_hbm.at[pl.ds(base + g * _CHUNK_ROWS, _CHUNK_ROWS)],
                sout[g % 2],
            )
        out_copies[nchunks - 2].wait()
        out_copies[nchunks - 1].wait()

    return gather_rows(theta)


def kernel(xx, theta):
    n = xx.shape[-1]
    d = theta.shape[1]
    tc_rows = n - _SC_ROWS
    tc_part = _tc_copy(theta, 0, tc_rows, d)
    sc_part = _sc_gather(theta, tc_rows, _SC_ROWS, d)
    return jnp.concatenate([tc_part, sc_part], axis=0)

# --- scband reference (transcript-rebuilt; emitter-appended) ---
"""Pipeline reference for scband-positional-embedding-4535485464909 (READ-ONLY COPY).

The authoritative reference and input builder live on the scoring server;
editing this copy changes nothing except your own understanding.
"""

import jax, jax.numpy as jnp
import numpy as np

N_EMBEDDINGS = 2048
N_TOKENS = 4096

def _make_theta():
    ii = np.arange(N_EMBEDDINGS, dtype=np.float64)
    pos = np.arange(N_TOKENS, dtype=np.float64)
    # theta[position, ii] = position / 10000^(2*ii / n_embeddings)
    theta = pos[:, None] / np.power(10000.0, 2.0 * ii[None, :] / N_EMBEDDINGS)
    theta[:, 0::2] = np.sin(theta[:, 0::2])
    theta[:, 1::2] = np.cos(theta[:, 1::2])
    return jnp.asarray(theta, dtype=jnp.float32)

def setup_inputs(seed: int = 0) -> dict:
    key = jax.random.key(seed)
    xx = jax.random.normal(key, (2, 4096), dtype=jnp.float32)
    theta = _make_theta()
    return {"xx": xx, "theta": theta}

def reference(xx, theta):
    position = jnp.arange(xx.shape[-1], dtype=jnp.int32)
    # embedding lookup: gather rows of the positional table
    out = jnp.take(theta, position, axis=0)
    return out

if __name__ == "__main__":
    import jax
    _d = setup_inputs()
    print(jax.jit(kernel)(*tuple(_d.values())))

</pallas_src>

<mosaic_0001>
#map = affine_map<(d0, d1) -> (0, 0)>
module attributes {stable_mosaic.version = 14 : i64} {
  func.func @gather_rows(%arg0: i32, %arg1: i32, %arg2: memref<4096x2048xf32, #tpu.memory_space<hbm>>, %arg3: memref<1536x2048xf32, #tpu.memory_space<hbm>>, %arg4: memref<16x2048xf32, #tpu.memory_space<vmem>>, %arg5: memref<16x2048xf32, #tpu.memory_space<vmem>>, %arg6: memref<!tpu.dma_semaphore, #tpu.memory_space<semaphore_mem>>, %arg7: memref<!tpu.dma_semaphore, #tpu.memory_space<semaphore_mem>>, %arg8: memref<!tpu.dma_semaphore, #tpu.memory_space<semaphore_mem>>, %arg9: memref<!tpu.dma_semaphore, #tpu.memory_space<semaphore_mem>>) attributes {dimension_semantics = [#tpu.dimension_semantics<core_parallel>, #tpu.dimension_semantics<subcore_parallel>], iteration_bounds = array<i64: 2, 16>, scalar_prefetch = 0 : i64, scratch_operands = 6 : i64, tpu.core_type = #tpu.core_type<sc_vector_subcore>, window_params = [{transform_indices = #map}, {transform_indices = #map}]} {
    %mul3A = arith.constant 2 : i32
    %mul3A_0 = arith.muli %arg1, %mul3A : i32
    %add3A = arith.addi %mul3A_0, %arg0 : i32
    %mul3A_1 = arith.constant 48 : i32
    %mul3A_2 = arith.muli %add3A, %mul3A_1 : i32
    %add3A_3 = arith.constant 2560 : i32
    %add3A_4 = arith.addi %add3A_3, %mul3A_2 : i32
    %add3A_5 = arith.constant 0 : i32
    %add3A_6 = arith.addi %add3A_4, %add3A_5 : i32
    %dma_start3A = arith.constant 0 : i32
    %dma_start3A_7 = tpu.memref_slice %arg2[%add3A_6, %dma_start3A] : memref<4096x2048xf32, #tpu.memory_space<hbm>> -> memref<16x2048xf32, #tpu.memory_space<hbm>>
    %dma_start3A_8 = arith.constant 0 : i32
    %dma_start3A_9 = tpu.memref_slice %arg2[%add3A_6, %dma_start3A_8] : memref<4096x2048xf32, #tpu.memory_space<hbm>> -> memref<16x2048xf32, #tpu.memory_space<hbm>>
    tpu.enqueue_dma source(%dma_start3A_9 : memref<16x2048xf32, #tpu.memory_space<hbm>>) target(%arg4 : memref<16x2048xf32, #tpu.memory_space<vmem>>) target_semaphore(%arg6 : memref<!tpu.dma_semaphore, #tpu.memory_space<semaphore_mem>>)
    %dma_wait3A = arith.constant 0 : i32
    %dma_wait3A_10 = tpu.memref_slice %arg2[%add3A_6, %dma_wait3A] : memref<4096x2048xf32, #tpu.memory_space<hbm>> -> memref<16x2048xf32, #tpu.memory_space<hbm>>
    %dma_wait3A_11 = arith.constant 0 : i32
    %dma_wait3A_12 = tpu.memref_slice %arg2[%add3A_6, %dma_wait3A_11] : memref<4096x2048xf32, #tpu.memory_space<hbm>> -> memref<16x2048xf32, #tpu.memory_space<hbm>>
    tpu.wait_dma2 semaphore(%arg6 : memref<!tpu.dma_semaphore, #tpu.memory_space<semaphore_mem>>) src(%dma_wait3A_12 : memref<16x2048xf32, #tpu.memory_space<hbm>>) dst(%arg4 : memref<16x2048xf32, #tpu.memory_space<vmem>>)
    %add3A_13 = arith.constant 0 : i32
    %add3A_14 = arith.addi %mul3A_2, %add3A_13 : i32
    %dma_start3A_15 = arith.constant 0 : i32
    %dma_start3A_16 = tpu.memref_slice %arg3[%add3A_14, %dma_start3A_15] : memref<1536x2048xf32, #tpu.memory_space<hbm>> -> memref<16x2048xf32, #tpu.memory_space<hbm>>
    %dma_start3A_17 = arith.constant 0 : i32
    %dma_start3A_18 = tpu.memref_slice %arg3[%add3A_14, %dma_start3A_17] : memref<1536x2048xf32, #tpu.memory_space<hbm>> -> memref<16x2048xf32, #tpu.memory_space<hbm>>
    tpu.enqueue_dma source(%arg4 : memref<16x2048xf32, #tpu.memory_space<vmem>>) target(%dma_start3A_18 : memref<16x2048xf32, #tpu.memory_space<hbm>>) target_semaphore(%arg8 : memref<!tpu.dma_semaphore, #tpu.memory_space<semaphore_mem>>)
    %add3A_19 = arith.constant 2560 : i32
    %add3A_20 = arith.addi %add3A_19, %mul3A_2 : i32
    %add3A_21 = arith.constant 16 : i32
    %add3A_22 = arith.addi %add3A_20, %add3A_21 : i32
    %dma_start3A_23 = arith.constant 0 : i32
    %dma_start3A_24 = tpu.memref_slice %arg2[%add3A_22, %dma_start3A_23] : memref<4096x2048xf32, #tpu.memory_space<hbm>> -> memref<16x2048xf32, #tpu.memory_space<hbm>>
    %dma_start3A_25 = arith.constant 0 : i32
    %dma_start3A_26 = tpu.memref_slice %arg2[%add3A_22, %dma_start3A_25] : memref<4096x2048xf32, #tpu.memory_space<hbm>> -> memref<16x2048xf32, #tpu.memory_space<hbm>>
    tpu.enqueue_dma source(%dma_start3A_26 : memref<16x2048xf32, #tpu.memory_space<hbm>>) target(%arg5 : memref<16x2048xf32, #tpu.memory_space<vmem>>) target_semaphore(%arg7 : memref<!tpu.dma_semaphore, #tpu.memory_space<semaphore_mem>>)
    %dma_wait3A_27 = arith.constant 0 : i32
    %dma_wait3A_28 = tpu.memref_slice %arg2[%add3A_22, %dma_wait3A_27] : memref<4096x2048xf32, #tpu.memory_space<hbm>> -> memref<16x2048xf32, #tpu.memory_space<hbm>>
    %dma_wait3A_29 = arith.constant 0 : i32
    %dma_wait3A_30 = tpu.memref_slice %arg2[%add3A_22, %dma_wait3A_29] : memref<4096x2048xf32, #tpu.memory_space<hbm>> -> memref<16x2048xf32, #tpu.memory_space<hbm>>
    tpu.wait_dma2 semaphore(%arg7 : memref<!tpu.dma_semaphore, #tpu.memory_space<semaphore_mem>>) src(%dma_wait3A_30 : memref<16x2048xf32, #tpu.memory_space<hbm>>) dst(%arg5 : memref<16x2048xf32, #tpu.memory_space<vmem>>)
    %add3A_31 = arith.constant 16 : i32
    %add3A_32 = arith.addi %mul3A_2, %add3A_31 : i32
    %dma_start3A_33 = arith.constant 0 : i32
    %dma_start3A_34 = tpu.memref_slice %arg3[%add3A_32, %dma_start3A_33] : memref<1536x2048xf32, #tpu.memory_space<hbm>> -> memref<16x2048xf32, #tpu.memory_space<hbm>>
    %dma_start3A_35 = arith.constant 0 : i32
    %dma_start3A_36 = tpu.memref_slice %arg3[%add3A_32, %dma_start3A_35] : memref<1536x2048xf32, #tpu.memory_space<hbm>> -> memref<16x2048xf32, #tpu.memory_space<hbm>>
    tpu.enqueue_dma source(%arg5 : memref<16x2048xf32, #tpu.memory_space<vmem>>) target(%dma_start3A_36 : memref<16x2048xf32, #tpu.memory_space<hbm>>) target_semaphore(%arg9 : memref<!tpu.dma_semaphore, #tpu.memory_space<semaphore_mem>>)
    %dma_wait3A_37 = arith.constant 0 : i32
    %dma_wait3A_38 = tpu.memref_slice %arg3[%add3A_14, %dma_wait3A_37] : memref<1536x2048xf32, #tpu.memory_space<hbm>> -> memref<16x2048xf32, #tpu.memory_space<hbm>>
    %dma_wait3A_39 = arith.constant 0 : i32
    %dma_wait3A_40 = tpu.memref_slice %arg3[%add3A_14, %dma_wait3A_39] : memref<1536x2048xf32, #tpu.memory_space<hbm>> -> memref<16x2048xf32, #tpu.memory_space<hbm>>
    tpu.wait_dma2 semaphore(%arg8 : memref<!tpu.dma_semaphore, #tpu.memory_space<semaphore_mem>>) src(%arg4 : memref<16x2048xf32, #tpu.memory_space<vmem>>) dst(%dma_wait3A_40 : memref<16x2048xf32, #tpu.memory_space<hbm>>)
    %add3A_41 = arith.constant 2560 : i32
    %add3A_42 = arith.addi %add3A_41, %mul3A_2 : i32
    %add3A_43 = arith.constant 32 : i32
    %add3A_44 = arith.addi %add3A_42, %add3A_43 : i32
    %dma_start3A_45 = arith.constant 0 : i32
    %dma_start3A_46 = tpu.memref_slice %arg2[%add3A_44, %dma_start3A_45] : memref<4096x2048xf32, #tpu.memory_space<hbm>> -> memref<16x2048xf32, #tpu.memory_space<hbm>>
    %dma_start3A_47 = arith.constant 0 : i32
    %dma_start3A_48 = tpu.memref_slice %arg2[%add3A_44, %dma_start3A_47] : memref<4096x2048xf32, #tpu.memory_space<hbm>> -> memref<16x2048xf32, #tpu.memory_space<hbm>>
    tpu.enqueue_dma source(%dma_start3A_48 : memref<16x2048xf32, #tpu.memory_space<hbm>>) target(%arg4 : memref<16x2048xf32, #tpu.memory_space<vmem>>) target_semaphore(%arg6 : memref<!tpu.dma_semaphore, #tpu.memory_space<semaphore_mem>>)
    %dma_wait3A_49 = arith.constant 0 : i32
    %dma_wait3A_50 = tpu.memref_slice %arg2[%add3A_44, %dma_wait3A_49] : memref<4096x2048xf32, #tpu.memory_space<hbm>> -> memref<16x2048xf32, #tpu.memory_space<hbm>>
    %dma_wait3A_51 = arith.constant 0 : i32
    %dma_wait3A_52 = tpu.memref_slice %arg2[%add3A_44, %dma_wait3A_51] : memref<4096x2048xf32, #tpu.memory_space<hbm>> -> memref<16x2048xf32, #tpu.memory_space<hbm>>
    tpu.wait_dma2 semaphore(%arg6 : memref<!tpu.dma_semaphore, #tpu.memory_space<semaphore_mem>>) src(%dma_wait3A_52 : memref<16x2048xf32, #tpu.memory_space<hbm>>) dst(%arg4 : memref<16x2048xf32, #tpu.memory_space<vmem>>)
    %add3A_53 = arith.constant 32 : i32
    %add3A_54 = arith.addi %mul3A_2, %add3A_53 : i32
    %dma_start3A_55 = arith.constant 0 : i32
    %dma_start3A_56 = tpu.memref_slice %arg3[%add3A_54, %dma_start3A_55] : memref<1536x2048xf32, #tpu.memory_space<hbm>> -> memref<16x2048xf32, #tpu.memory_space<hbm>>
    %dma_start3A_57 = arith.constant 0 : i32
    %dma_start3A_58 = tpu.memref_slice %arg3[%add3A_54, %dma_start3A_57] : memref<1536x2048xf32, #tpu.memory_space<hbm>> -> memref<16x2048xf32, #tpu.memory_space<hbm>>
    tpu.enqueue_dma source(%arg4 : memref<16x2048xf32, #tpu.memory_space<vmem>>) target(%dma_start3A_58 : memref<16x2048xf32, #tpu.memory_space<hbm>>) target_semaphore(%arg8 : memref<!tpu.dma_semaphore, #tpu.memory_space<semaphore_mem>>)
    %dma_wait3A_59 = arith.constant 0 : i32
    %dma_wait3A_60 = tpu.memref_slice %arg3[%add3A_32, %dma_wait3A_59] : memref<1536x2048xf32, #tpu.memory_space<hbm>> -> memref<16x2048xf32, #tpu.memory_space<hbm>>
    %dma_wait3A_61 = arith.constant 0 : i32
    %dma_wait3A_62 = tpu.memref_slice %arg3[%add3A_32, %dma_wait3A_61] : memref<1536x2048xf32, #tpu.memory_space<hbm>> -> memref<16x2048xf32, #tpu.memory_space<hbm>>
    tpu.wait_dma2 semaphore(%arg9 : memref<!tpu.dma_semaphore, #tpu.memory_space<semaphore_mem>>) src(%arg5 : memref<16x2048xf32, #tpu.memory_space<vmem>>) dst(%dma_wait3A_62 : memref<16x2048xf32, #tpu.memory_space<hbm>>)
    %dma_wait3A_63 = arith.constant 0 : i32
    %dma_wait3A_64 = tpu.memref_slice %arg3[%add3A_54, %dma_wait3A_63] : memref<1536x2048xf32, #tpu.memory_space<hbm>> -> memref<16x2048xf32, #tpu.memory_space<hbm>>
    %dma_wait3A_65 = arith.constant 0 : i32
    %dma_wait3A_66 = tpu.memref_slice %arg3[%add3A_54, %dma_wait3A_65] : memref<1536x2048xf32, #tpu.memory_space<hbm>> -> memref<16x2048xf32, #tpu.memory_space<hbm>>
    tpu.wait_dma2 semaphore(%arg8 : memref<!tpu.dma_semaphore, #tpu.memory_space<semaphore_mem>>) src(%arg4 : memref<16x2048xf32, #tpu.memory_space<vmem>>) dst(%dma_wait3A_66 : memref<16x2048xf32, #tpu.memory_space<hbm>>)
    return
  }
}

module attributes {stable_mosaic.version = 14 : i64} {
  func.func @_tc_copy_body(%arg0: i32, %arg1: memref<512x2048xf32, #tpu.memory_space<vmem>>, %arg2: memref<512x2048xf32, #tpu.memory_space<vmem>>) attributes {dimension_semantics = [#tpu.dimension_semantics<arbitrary>], iteration_bounds = array<i64: 5>, scalar_prefetch = 0 : i64, scratch_operands = 0 : i64, tpu.core_type = #tpu.core_type<tc>, window_params = [{transform_indices = @transform_0, window_bounds = array<i64: 512, 2048>}, {transform_indices = @transform_1, window_bounds = array<i64: 512, 2048>}]} {
    %get3A = arith.constant 0 : index
    %get3A_0 = arith.constant 0 : index
    %get3A_1 = vector.load %arg1[%get3A, %get3A_0] : memref<512x2048xf32, #tpu.memory_space<vmem>>, vector<512x2048xf32>
    %swap3A = arith.constant 0 : index
    %swap3A_2 = arith.constant 0 : index
    %swap3A_3 = vector.load %arg2[%swap3A, %swap3A_2] : memref<512x2048xf32, #tpu.memory_space<vmem>>, vector<512x2048xf32>
    tpu.vector_store %arg2[%swap3A, %swap3A_2], %get3A_1 {strides = array<i32>} : memref<512x2048xf32, #tpu.memory_space<vmem>>, vector<512x2048xf32>,
    return
  }
  func.func @transform_0(%arg0: i32) -> (i32, i32) {
    %add3A = arith.constant 0 : i32
    %add3A_0 = arith.addi %add3A, %arg0 : i32
    %c0_i32 = arith.constant 0 : i32
    %c0_i32_1 = arith.constant 0 : i32
    return %add3A_0, %c0_i32 : i32, i32
  }
  func.func @transform_1(%arg0: i32) -> (i32, i32) {
    %c0_i32 = arith.constant 0 : i32
    %c0_i32_0 = arith.constant 0 : i32
    return %arg0, %c0_i32 : i32, i32
  }
}

</mosaic_0001>

<sc_bundles>
// kernel: kernel.4.cloned.1.call-start
scs
__scs_entry_jumppad:
0x0: {  	(pc) =	sbr.rel $0x88, $3  }
0x1: {  	(tag) =	ssettag $0x0;
	lr =	simm.s32 $0x1  }
0x2: {  	[smem:$0x3FA0] =	sst lr;
	_ =	strace $0xD0000000  }
0x3: {  	_ = 	snop  }
0x4: {  	_ = 	snop  }
0x5: {  	_ = 	snop  }
0x6: {  	_ = 	snop  }
0x7: {  	_ = 	snop  }
__scs_overlays_trampoline_lowered:
0x8: {  	[smem:$0x3FAF] =	sst s0  }
0x9: {  	[smem:$0x3FB0] =	sst s1  }
0xa: {  	[smem:$0x3FB1] =	sst s2  }
0xb: {  	[smem:$0x3FB2] =	sst s3  }
0xc: {  	[smem:$0x3FB3] =	sst s4  }
0xd: {  	[smem:$0x3FB4] =	sst s5  }
0xe: {  	[smem:$0x3FB5] =	sst s6  }
0xf: {  	[smem:$0x3FB6] =	sst s7  }
0x10: {  	[smem:$0x3FB7] =	sst s8  }
0x11: {  	[smem:$0x3FB8] =	sst s9;
	s0 =	simm.s32 @!p0 $0x0  }
0x12: {  	s1 =	sld [smem:$0x3F9E];
	s0 =	simm.s32 @p0 $0x1  }
0x13: {  	[smem:$0x3FB9] =	sst s0;
	s0 =	simm.s32 @!p1 $0x0  }
0x14: {  	s2 =	sld [smem:$0x3F9D];
	s0 =	simm.s32 @p1 $0x1  }
0x15: {  	[smem:$0x3FBA] =	sst s0;
	s0 =	simm.s32 @!p2 $0x0  }
0x16: {  	s3 =	sld [smem:$0x3FDB];
	s0 =	simm.s32 @p2 $0x1  }
0x17: {  	s4 =	simm.s32 $0x1BF5;
	[smem:$0x3FBC] =	sst s0  }
0x18: {  	s0 =	sld [smem:$0x3F9F];
	_ =	swait.ge [sflag:s4], $0x0  }
0x19: {  	s7 =	sld [smem:$0x3FA0]  }
0x1a: {  	s8 =	sadd.s32 $0xFFFFE003, lr  }
0x1b: {  	s9 =	sadd.s32 $0xFFFFFEF7, lr;
	s5 =	simm.s32 $0xFFFFFFFF;
	p2 =	slt.u32 s8, $0xFFFFF086  }
0x1c: {  	p1 =	slt.u32 s9, $0xF7A;
	s5 =	simm.s32 @!p2 $0x0  }
0x1d: {  	s5 =	simm.s32 @p1 $0x1;
	p0 =	seq.s32 s7, s2  }
0x1e: {  	s7 =	smul.u32 @!p0 $0xF7A, s2;
	p2 =	seq.s32 @!p0 s5, $0x0  }
0x1f: {  	s9 =	smul.u32 $0xF7A, s1;
	s8 =	simm.s32 @!p0 $0x1BF5;
	p2 =	por !p2, p0  }
0x20: {  	[sflag:s8] =	ssyncset.s32 @!p0 $0xFFFFF086;
	s6 =	sadd.s32 @!p0 s3, s7;
	s7 =	simm.s32 @!p0 $0x108  }
0x21: {  	s3 =	sadd.s32 s3, s9;
	s6 =	sadd.s32 @!p0 $0x88, s6;
	s7 =	simm.s32 @p2 $0x1082  }
0x22: {  	[simem:s7], [sflag:s8] =	dma.local @!p0 [hbm:s6], $0xF7A  }
0x23: {  	s9 =	sor.u32 $0xD0000000, s2;
	s6 =	simm.s32 $0x108;
	_ =	swait.ge @!p0 [sflag:s8], $0x0  }
0x24: {  	s3 =	sadd.s32 $0x88, s3;
	s6 =	simm.s32 @!p1 $0x1082;
	[sflag:s4] =	ssyncset.s32 $0xFFFFF086  }
0x25: {  	[simem:s6], [sflag:s4] =	dma.local [hbm:s3], $0xF7A  }
0x26: {  	[smem:$0x3FA0] =	sst s1;
	(tag) =	ssettag s2;
	_ =	strace s9  }
0x27: {  	s1 =	sld [smem:$0x3FB0]  }
0x28: {  	s2 =	sld [smem:$0x3FB1]  }
0x29: {  	s4 =	sld [smem:$0x3FB3]  }
0x2a: {  	p0 =	seq.s32 s5, $0x0;
	s5 =	sld [smem:$0x3FB4]  }
0x2b: {  	s6 =	sld [smem:$0x3FB5]  }
0x2c: {  	s7 =	sld [smem:$0x3FB6]  }
0x2d: {  	s3 =	simm.s32 $0x108;
	s8 =	sld [smem:$0x3FB7]  }
0x2e: {  	s3 =	simm.s32 @!p0 $0x1082;
	s9 =	sld [smem:$0x3FB8]  }
0x2f: {  	lr =	sadd.s32 s0, s3;
	s0 =	sld [smem:$0x3FAF]  }
0x30: {  	s3 =	sld [smem:$0x3FB2]  }
0x31: {  	[smem:$0x3FBB] =	sst s10  }
0x32: {  	s10 =	sld [smem:$0x3FB9];
	_ =	sdelay $0x3  }
0x33: {  	p0 =	seq.s32 s10, $0x1;
	s10 =	sld [smem:$0x3FBB];
	_ =	sdelay $0x3  }
0x34: {  	[smem:$0x3FBB] =	sst s10  }
0x35: {  	s10 =	sld [smem:$0x3FBA];
	_ =	sdelay $0x3  }
0x36: {  	p1 =	seq.s32 s10, $0x1;
	s10 =	sld [smem:$0x3FBB];
	_ =	sdelay $0x3  }
0x37: {  	[smem:$0x3FBB] =	sst s10  }
0x38: {  	s10 =	sld [smem:$0x3FBC]  }
0x39: {  	_ = 	snop;
	(pc) =	sbr.ind lr, $3  }
0x3a: {  	_ = 	snop  }
0x3b: {  	_ = 	snop  }
0x3c: {  	p2 =	seq.s32 s10, $0x1;
	s10 =	sld [smem:$0x3FBB]  }
0x3d: {  	_ =	shalt  }
0x3e: {  	_ =	shalt  }
0x3f: {  	_ =	shalt  }
0x40: {  	_ =	shalt  }
0x41: {  	_ =	shalt  }
0x42: {  	_ =	shalt  }
0x43: {  	_ =	shalt  }
0x44: {  	_ =	shalt  }
0x45: {  	_ =	shalt  }
0x46: {  	_ =	shalt  }
0x47: {  	_ =	shalt  }
0x48: {  	_ =	shalt  }
0x49: {  	_ =	shalt  }
0x4a: {  	_ =	shalt  }
0x4b: {  	_ =	shalt  }
0x4c: {  	_ =	shalt  }
0x4d: {  	_ =	shalt  }
0x4e: {  	_ =	shalt  }
0x4f: {  	_ =	shalt  }
0x50: {  	_ =	shalt  }
0x51: {  	_ =	shalt  }
0x52: {  	_ =	shalt  }
0x53: {  	_ =	shalt  }
0x54: {  	_ =	shalt  }
0x55: {  	_ =	shalt  }
0x56: {  	_ =	shalt  }
0x57: {  	_ =	shalt  }
0x58: {  	_ =	shalt  }
0x59: {  	_ =	shalt  }
0x5a: {  	_ =	shalt  }
0x5b: {  	_ =	shalt  }
0x5c: {  	_ =	shalt  }
0x5d: {  	_ =	shalt  }
0x5e: {  	_ =	shalt  }
0x5f: {  	_ =	shalt  }
0x60: {  	_ =	shalt  }
0x61: {  	_ =	shalt  }
0x62: {  	_ =	shalt  }
0x63: {  	_ =	shalt  }
0x64: {  	_ =	shalt  }
0x65: {  	_ =	shalt  }
0x66: {  	_ =	shalt  }
0x67: {  	_ =	shalt  }
0x68: {  	_ =	shalt  }
0x69: {  	_ =	shalt  }
0x6a: {  	_ =	shalt  }
0x6b: {  	_ =	shalt  }
0x6c: {  	_ =	shalt  }
0x6d: {  	_ =	shalt  }
0x6e: {  	_ =	shalt  }
0x6f: {  	_ =	shalt  }
0x70: {  	_ =	shalt  }
0x71: {  	_ =	shalt  }
0x72: {  	_ =	shalt  }
0x73: {  	_ =	shalt  }
0x74: {  	_ =	shalt  }
0x75: {  	_ =	shalt  }
0x76: {  	_ =	shalt  }
0x77: {  	_ =	shalt  }
0x78: {  	_ =	shalt  }
0x79: {  	_ =	shalt  }
0x7a: {  	_ =	shalt  }
0x7b: {  	_ =	shalt  }
0x7c: {  	_ =	shalt  }
0x7d: {  	_ =	shalt  }
0x7e: {  	_ =	shalt  }
0x7f: {  	_ =	shalt  }
0x80: {  	_ =	shalt  }
0x81: {  	_ =	shalt  }
0x82: {  	_ =	shalt  }
0x83: {  	_ =	shalt  }
0x84: {  	_ =	shalt  }
0x85: {  	_ =	shalt  }
0x86: {  	_ =	shalt  }
0x87: {  	_ =	shalt  }
.Lfunc_end0:
.L_simem_size_0:
called_computation_lowered:
.L_overlay_start_0:
0x88: {  	s2 =	sld [smem:$0x3FD9]  }
0x89: {  	s3 =	sld [smem:$0x3FFE];
	_ =	sdelay $0x1  }
0x8a: {  	s1 =	srdreg.scid  }
0x8b: {  	s0 =	sand.u32 $0x1, s1  }
0x8c: {  	s17 =	sshll.u32 s0, $0xA;
	s2 =	sadd.s32 s3, s2  }
0x8d: {  	s2 =	sadd.s32 s2, s17  }
0x8e: {  	[smem:$0x3FC7] =	sst s2  }
0x8f: {  	_ = 	snop  }
0x90: {  	s2 =	sld [smem:$0x3FC9];
	(tm) =	ssettm $0x1  }
0x91: {  	s18 =	sld [smem:$0x3FFB];
	_ =	sdelay $0x3  }
0x92: {  	_ =	strace s18  }
0x93: {  	s3 =	sld [smem:$0x3FFC];
	_ =	sdelay $0x3  }
0x94: {  	_ =	strace s3  }
0x95: {  	s3 =	sld [smem:$0x3FFD];
	_ =	sdelay $0x3  }
0x96: {  	_ =	strace s3  }
0x97: {  	_ =	strace $0x8FFFFFFF  }
0x98: {  	s19 =	sld [smem:$0x3FDB];
	_ =	sdelay $0x1  }
0x99: {  	s4 =	simm.s32 $_scs_section_size  }
0x9a: {  	s5 =	simm.s32 $_size__tile_overlayer_lowered;
	s6 =	simm.s32 $_tile_overlayer_lowered  }
0x9b: {  	s22 =	simm.s32 $0x1BFF;
	s21 =	sshll.u32 s6, $0x1;
	s3 =	sadd.s32 s4, s19  }
0x9c: {  	s7 =	simm.s32 $0x0;
	s20 =	sshll.u32 s5, $0x1;
	s5 =	sadd.s32 s21, s3  }
0x9d: {  	[timem:s7], [sflag:s22] =	dma.local [hbm:s5], s20  }
0x9e: {  	_ =	swait.ge [sflag:s22], s20  }
0x9f: {  	s4 =	ssub.s32 $0x0, s20;
	[sflag:s22] =	ssyncset.done $0x0  }
0xa0: {  	[sflag:s22] =	ssyncadd.s32 s4;
	_ =	sdelay $0x1  }
0xa1: {  	s23 =	simm.s32 $0x1B8B  }
0xa2: {  	_ =	swait.ge [sflag:s23], $0x1  }
0xa3: {  	[sflag:s23] =	ssyncset.done $0x0  }
0xa4: {  	s25 =	simm.s32 $0x1B8E;
	s24 =	sld [smem:$0x3FFE];
	[sflag:s23] =	ssyncadd.s32 $0xFFFFFFFF  }
0xa5: {  	s26 =	simm.s32 $execute0_lowered;
	[smem:$0x3FD2] =	sst s25  }
0xa6: {  	s5 =	sshll.u32 s26, $0x1;
	_ =	strace $0x80000046;
	[dreg:$0x1] =	wrdreg $0xFFFFFFFF  }
0xa7: {  	s28 =	simm.s32 $_size_execute0_lowered;
	s3 =	sadd.s32 s3, s5;
	[dreg:$0x0] =	wrdreg $0x0  }
0xa8: {  	s5 =	sshll.u32 s28, $0x1;
	[dreg:$0x2] =	wrdreg s3  }
0xa9: {  	[dreg:$0x3] =	wrdreg s5  }
0xaa: {  	[dreg:$0x4] =	wrdreg $0xC0  }
0xab: {  	_ =	task [dreg:s7], $0x5FFFF  }
0xac: {  	[dreg:$0x1] =	wrdreg $0xFFFFFFFF  }
0xad: {  	[dreg:$0x0] =	wrdreg $0x60  }
0xae: {  	[dreg:$0x2] =	wrdreg s2  }
0xaf: {  	[dreg:$0x3] =	wrdreg s24  }
0xb0: {  	[dreg:$0x4] =	wrdreg $0x9  }
0xb1: {  	_ =	task.clear_ibuf [dreg:s7], $0x5FFFF;
	_ =	strace $0x90000046  }
0xb2: {  	s29 =	simm.s32 $0x9;
	_ =	strace $0x80000048  }
0xb3: {  	_ =	swait.ge [sflag:s29], $0x1  }
0xb4: {  	[sflag:s29] =	ssyncadd.s32 $0xFFFFFFFF  }
0xb5: {  	_ =	strace $0x90000048  }
0xb6: {  	_ =	sfence  }
0xb7: {  	s30 =	sld [smem:$0x0];
	_ =	sdelay $0x2  }
0xb8: {  	s31 =	sshll.u32 s1, $0xD;
	s1 =	sshrl.u32 s1, $0x2  }
0xb9: {  	s3 =	sand.u32 $0x4000, s31;
	s1 =	sadd.s32 s1, s30  }
0xba: {  	s0 =	sor.u32 s3, s0;
	s1 =	sshll.u32 s1, $0x11  }
0xbb: {  	s0 =	sor.u32 s1, s0  }
0xbc: {  	s0 =	sadd.s32 $0x8F2B, s0  }
0xbd: {  	[sflag:s0] =	ssyncadd.remote.s32 $0x1  }
0xbe: {  	_ =	sfence.sel $0xFFFF  }
0xbf: {  	[dreg:$0x0] =	wrdreg $0xFFFFFFFF;
	(pc) =	sbr.abs _section_cstart, $3  }
0xc0: {  	[dreg:$0x1] =	wrdreg $0xFFFFFFFF  }
0xc1: {  	_ =	task.clear_ibuf [dreg:s7], $0x2FFFF;
	_ =	strace $0x9FFFFFFF  }
0xc2: {  	(tm) =	ssettm $0x7FFFFFFF  }
0xc3: {  	_ =	shalt  }
tec
execute0_lowered:
.L_overlay_start_1:
0x0: {  	(tag) =	ssettag $0x1  }
0x1: {  	s1 =	srdreg.scid;
	s0 =	stileid.u32  }
0x2: {  	s12 =	sand.u32 $0x1, s1;
	s31 =	sshll.u32 s0, $0x1  }
0x3: {  	s5 =	sor.u32 s12, s31  }
0x4: {  	s3 =	rddreg [dreg:$0x0];
	s4 =	smul.u32 $0x18000, s5  }
0x5: {  	s6 =	rddreg [dreg:$0x1]  }
0x6: {  	s2 =	simm.s32 $0x0;
	s1 =	rddreg [dreg:$0x2];
	s9 =	sshrl.u32 s4, $0x3  }
0x7: {  	[smem:$0x7FF] =	sst s2;
	s11 =	sadd.s32 s3, s9  }
0x8: {  	_ =	strace $0x80000047;
	s4 =	simm.s32 $0x1;
	s3 =	sadd.s32 $0xA0000, s11  }
0x9: {  	[tilespmem:s2], [sflag:$0x1] =	stream.linear.gather [hbm4b:s3+s2], $0x8000, $0x38;
	[tilespmem:$0x10000] =	vst v63  }
0xa: {  	s5 =	smul.u32 $0x3000, s5;
	_ =	swait.ge [sflag:s4], $0x8000  }
0xb: {  	s10 =	sadd.s32 $0x400, s6;
	[sflag:s4] =	ssyncset.done $0x0  }
0xc: {  	s5 =	sadd.s32 s10, s5;
	[sflag:s4] =	ssyncadd.s32 $0xFFFF8000  }
0xd: {  	[hbm4b:s5+s2] =	stream.linear.scatter [tilespmem:s2], [sflag:$0x3], $0x8000, $0x38;
	[tilespmem:$0x10000] =	vst v63  }
0xe: {  	s7 =	simm.s32 $0x8000;
	s8 =	simm.s32 $0x2;
	s6 =	sadd.s32 $0xA1000, s11  }
0xf: {  	[tilespmem:s7], [sflag:$0x2] =	stream.linear.gather [hbm4b:s6+s2], $0x8000, $0x38;
	[tilespmem:$0x10000] =	vst v63  }
0x10: {  	_ =	swait.ge [sflag:s8], $0x8000  }
0x11: {  	s13 =	sadd.s32 s10, s9;
	[sflag:s8] =	ssyncset.done $0x0  }
0x12: {  	s9 =	simm.s32 $0x3;
	s10 =	sadd.s32 $0x1000, s13;
	[sflag:s8] =	ssyncadd.s32 $0xFFFF8000  }
0x13: {  	[hbm4b:s10+s2] =	stream.linear.scatter [tilespmem:s7], [sflag:$0x4], $0x8000, $0x38;
	[tilespmem:$0x10000] =	vst v63  }
0x14: {  	s14 =	ssub.s32 $0x2, s12;
	_ =	swait.ge [sflag:s9], $0x8000  }
0x15: {  	s15 =	sshrl.u32 s14, $0x1;
	[sflag:s9] =	ssyncset.done $0x0  }
0x16: {  	s14 =	ssub.s32 s14, s15;
	s11 =	sadd.s32 $0xA2000, s11;
	[sflag:s9] =	ssyncadd.s32 $0xFFFF8000  }
0x17: {  	[tilespmem:s2], [sflag:$0x1] =	stream.linear.gather [hbm4b:s11+s2], $0x8000, $0x38;
	[tilespmem:$0x10000] =	vst v63  }
0x18: {  	s14 =	smax.u32 s14, $0x1;
	_ =	swait.ge [sflag:s4], $0x8000  }
0x19: {  	p0 =	sne.s32 s14, $0x1;
	[sflag:s4] =	ssyncset.done $0x0  }
0x1a: {  	s12 =	sadd.s32 $0x2000, s13;
	s13 =	simm.s32 $0x4;
	[sflag:s4] =	ssyncadd.s32 $0xFFFF8000  }
0x1b: {  	[hbm4b:s12+s2] =	stream.linear.scatter [tilespmem:s2], [sflag:$0x3], $0x8000, $0x38;
	[tilespmem:$0x10000] =	vst v63  }
.Ltmp0:
0x1c: {  	_ =	swait.ge [sflag:s13], $0x8000;
	(pc) =	sbr.rel @!p0 .LBB2_2-.Ltmp0, $4  }
0x1d: {  	[sflag:s13] =	ssyncset.done $0x0  }
0x1e: {  	[sflag:s13] =	ssyncadd.s32 $0xFFFF8000  }
0x1f: {  	_ =	swait.ge [sflag:s9], $0x8000  }
0x20: {  	s14 =	sadd.s32 $0xFFFFFFFF, s14;
	[sflag:s9] =	ssyncset.done $0x0  }
.LBB2_1:
0x21: {  	p0 =	sne.s32 s14, $0x1;
	s14 =	sadd.s32 $0xFFFFFFFF, s14;
	[sflag:s9] =	ssyncadd.s32 $0xFFFF8000  }
0x22: {  	[tilespmem:s2], [sflag:$0x1] =	stream.linear.gather [hbm4b:s3+s2], $0x8000, $0x38;
	[tilespmem:$0x10000] =	vst v63  }
0x23: {  	_ =	swait.ge [sflag:s4], $0x8000  }
0x24: {  	[sflag:s4] =	ssyncset.done $0x0  }
0x25: {  	[sflag:s4] =	ssyncadd.s32 $0xFFFF8000  }
0x26: {  	[hbm4b:s5+s2] =	stream.linear.scatter [tilespmem:s2], [sflag:$0x3], $0x8000, $0x38;
	[tilespmem:$0x10000] =	vst v63  }
0x27: {  	_ = 	snop  }
0x28: {  	[tilespmem:s7], [sflag:$0x2] =	stream.linear.gather [hbm4b:s6+s2], $0x8000, $0x38;
	[tilespmem:$0x10000] =	vst v63  }
0x29: {  	_ =	swait.ge [sflag:s8], $0x8000  }
0x2a: {  	[sflag:s8] =	ssyncset.done $0x0  }
0x2b: {  	[sflag:s8] =	ssyncadd.s32 $0xFFFF8000  }
0x2c: {  	[hbm4b:s10+s2] =	stream.linear.scatter [tilespmem:s7], [sflag:$0x4], $0x8000, $0x38;
	[tilespmem:$0x10000] =	vst v63  }
0x2d: {  	_ =	swait.ge [sflag:s9], $0x8000  }
0x2e: {  	[sflag:s9] =	ssyncset.done $0x0  }
0x2f: {  	[sflag:s9] =	ssyncadd.s32 $0xFFFF8000  }
0x30: {  	[tilespmem:s2], [sflag:$0x1] =	stream.linear.gather [hbm4b:s11+s2], $0x8000, $0x38;
	[tilespmem:$0x10000] =	vst v63  }
0x31: {  	_ =	swait.ge [sflag:s4], $0x8000  }
0x32: {  	[sflag:s4] =	ssyncset.done $0x0  }
0x33: {  	[sflag:s4] =	ssyncadd.s32 $0xFFFF8000  }
0x34: {  	[hbm4b:s12+s2] =	stream.linear.scatter [tilespmem:s2], [sflag:$0x3], $0x8000, $0x38;
	[tilespmem:$0x10000] =	vst v63  }
.Ltmp1:
0x35: {  	_ =	swait.ge [sflag:s13], $0x8000;
	(pc) =	sbr.rel @p0 .LBB2_1-.Ltmp1, $4  }
0x36: {  	[sflag:s13] =	ssyncset.done $0x0  }
0x37: {  	[sflag:s13] =	ssyncadd.s32 $0xFFFF8000  }
0x38: {  	_ =	swait.ge [sflag:s9], $0x8000  }
0x39: {  	[sflag:s9] =	ssyncset.done $0x0  }
.LBB2_2:
0x3a: {  	[sflag:s9] =	ssyncadd.s32 $0xFFFF8000  }
0x3b: {  	_ =	sfence.sel $0x180000  }
0x3c: {  	[bflag:$0x0] =	sbarrier.arrive $0xFFFF  }
0x3d: {  	p0 =	sne.s32 s0, $0x0;
	_ =	strace $0x90000047  }
0x3e: {  	s0 =	sadd.s32 @!p0 $0x100000, s1;
	[bflag:$0x2] =	sbarrier.arrive $0xFFFF  }
0x3f: {  	[sflag:s0] =	ssyncadd.tile.s32 @!p0 $0x1;
	_ =	shalt  }
.Lfunc_end2:
_tile_overlayer_lowered:
.L_overlay_start_2:
0x40: {  	(tag) =	ssettag $0x2  }
0x41: {  	s0 =	rddreg [dreg:$0x0];
	s2 =	stileid.u32  }
0x42: {  	s1 =	rddreg [dreg:$0x1];
	p0 =	sne.s32 s2, $0x0  }
0x43: {  	s3 =	rddreg [dreg:$0x2];
	[bflag:$0x3] =	sbarrier.arrive $0xFFFF;
	s2 =	simm.s32 @!p0 $0x1C05  }
0x44: {  	[timem:s3], [sflag:s2] =	dma.local @!p0 [hbm:s0], s1  }
0x45: {  	s0 =	simm.s32 @!p0 $0x5  }
0x46: {  	_ =	swait.ge @!p0 [sflag:s0], s1  }
0x47: {  	s1 =	ssub.s32 @!p0 $0x0, s1;
	[sflag:s0] =	ssyncset.done @!p0 $0x0  }
0x48: {  	[sflag:s0] =	ssyncadd.s32 @!p0 s1  }
0x49: {  	[bflag:$0x3] =	sbarrier.arrive $0xFFFF  }
0x4a: {  	_ =	shalt  }

</sc_bundles>
